<compile_context>
chip_gen: v7x
topology: tpu7x:2x2x1
jax: 0.10.2.dev20260603
libtpu: 0.0.44.dev20260713+nightly
codegen_flags: <defaults>
</compile_context>

<pallas_src>
import functools

import jax
import jax.numpy as jnp
from jax import lax
from jax.experimental import pallas as pl
from jax.experimental.pallas import tpu as pltpu
from jax.experimental.pallas import tpu_sc as plsc

_B = 16384
_F = 64

_NS = plsc.get_sparse_core_info().num_subcores
_NW = _NS
_BPW = _B // _NW
_CHUNK = 128
_NCHUNK = _BPW // _CHUNK


def _sc_gather(idx_hbm, mu_hbm, out_hbm, idx_v, mu_v, sem, wsem):
    wid = lax.axis_index("s")
    base = wid * _BPW
    pltpu.sync_copy(idx_hbm.at[pl.ds(wid * _NCHUNK, _NCHUNK)], idx_v)
    copies = [
        pltpu.async_copy(mu_hbm.at[idx_v.at[j]],
                         mu_v.at[pl.ds(j * _CHUNK, _CHUNK)], sem)
        for j in range(_NCHUNK)
    ]
    writes = []
    for j in range(_NCHUNK):
        copies[j].wait()
        writes.append(
            pltpu.async_copy(mu_v.at[pl.ds(j * _CHUNK, _CHUNK)],
                             out_hbm.at[pl.ds(base + j * _CHUNK, _CHUNK)],
                             wsem))
    for w in writes:
        w.wait()


def _matvec_body(ut_ref, vt_ref, wu_ref, wi_ref, o_ref):
    ut = ut_ref[...]
    vt = vt_ref[...]
    wu = wu_ref[...]
    wi = wi_ref[...]
    s = (jnp.dot(wu, ut, preferred_element_type=jnp.float32)
         + jnp.dot(wi, vt, preferred_element_type=jnp.float32))
    o_ref[...] = s.reshape(o_ref.shape)


def _combine_body(lg_ref, mu_ref, eps_ref, o_ref):
    o_ref[...] = lg_ref[...] + jnp.exp(mu_ref[...] + eps_ref[...])


def kernel(users, items, items_idx, eps, W_user, W_item, mu):
    idx2d = items_idx.reshape(_B // _CHUNK, _CHUNK)

    mesh = plsc.VectorSubcoreMesh(core_axis_name="c", subcore_axis_name="s",
                                  num_cores=1)
    sc = functools.partial(
        pl.kernel,
        mesh=mesh,
        out_type=jax.ShapeDtypeStruct((_B,), jnp.float32),
        scratch_types=[
            pltpu.VMEM((_NCHUNK, _CHUNK), jnp.int32),
            pltpu.VMEM((_BPW,), jnp.float32),
            pltpu.SemaphoreType.DMA,
            pltpu.SemaphoreType.DMA,
        ],
    )(_sc_gather)
    mu_g = sc(idx2d, mu)

    cols = 4096
    logits = pl.pallas_call(
        _matvec_body,
        grid=(_B // cols,),
        in_specs=[
            pl.BlockSpec((_F, cols), lambda i: (0, i)),
            pl.BlockSpec((_F, cols), lambda i: (0, i)),
            pl.BlockSpec((1, _F), lambda i: (0, 0)),
            pl.BlockSpec((1, _F), lambda i: (0, 0)),
        ],
        out_specs=pl.BlockSpec((cols,), lambda i: (i,)),
        out_shape=jax.ShapeDtypeStruct((_B,), jnp.float32),
    )(users.T, items.T, W_user.T, W_item.T)

    return pl.pallas_call(
        _combine_body,
        out_shape=jax.ShapeDtypeStruct((_B,), jnp.float32),
    )(logits, mu_g, eps)

# --- scband reference (transcript-rebuilt; emitter-appended) ---
"""Pipeline reference for scband-beta-variational-estimator-53712861003888 (READ-ONLY COPY).

The authoritative reference and input builder live on the scoring server;
editing this copy changes nothing except your own understanding.
"""

import jax, jax.numpy as jnp
import numpy as np

B = 16384
F = 64
N_ITEMS = 1000000


def setup_inputs(seed: int = 0) -> dict:
    key = jax.random.key(seed)
    k1, k2, k3, k4, k5, k6 = jax.random.split(key, 6)
    users = jax.random.normal(k1, (B, F), dtype=jnp.float32)
    items = jax.random.normal(k2, (B, F), dtype=jnp.float32)
    items_idx = jax.random.randint(k3, (B,), 0, N_ITEMS, dtype=jnp.int32)
    # eps: reparameterization noise for the lognormal sample (sample_from_indices)
    eps = jax.random.normal(k4, (B,), dtype=jnp.float32)
    # Dense(1, use_bias=False) kernels for beta_user / beta_item
    W_user = jax.random.normal(k5, (F, 1), dtype=jnp.float32) * 0.05
    W_item = jax.random.normal(k6, (F, 1), dtype=jnp.float32) * 0.05
    # LogNormal variational params: mu initialized to zeros, log_sigma = 0 (homoscedastic)
    mu = jnp.zeros((N_ITEMS,), dtype=jnp.float32)
    return {
        "users": users,
        "items": items,
        "items_idx": items_idx,
        "eps": eps,
        "W_user": W_user,
        "W_item": W_item,
        "mu": mu,
    }


def reference(users, items, items_idx, eps, W_user, W_item, mu):
    # logits = beta_user(users) + beta_item(items)  -> [B, 1]
    logits = users @ W_user + items @ W_item
    # pop_bias = lognormal sample_from_indices(items_idx)[0, :]
    # sample = exp(mu[idx] + sigma * eps), sigma = exp(log_sigma) = exp(0) = 1
    sigma = jnp.exp(jnp.float32(0.0))
    mu_gathered = jnp.take(mu, items_idx, axis=0)
    pop_bias = jnp.exp(mu_gathered + sigma * eps)
    out = jnp.reshape(logits, (-1,)) + pop_bias
    return out

if __name__ == "__main__":
    import jax
    _d = setup_inputs()
    print(jax.jit(kernel)(*tuple(_d.values())))

</pallas_src>

<mosaic_0001>
#map = affine_map<(d0, d1) -> (0, 0)>
#map1 = affine_map<(d0, d1) -> (0)>
module attributes {stable_mosaic.version = 14 : i64} {
  func.func @_sc_gather(%arg0: i32, %arg1: i32, %arg2: memref<128x128xi32, #tpu.memory_space<hbm>>, %arg3: memref<1000000xf32, #tpu.memory_space<hbm>>, %arg4: memref<16384xf32, #tpu.memory_space<hbm>>, %arg5: memref<8x128xi32, #tpu.memory_space<vmem>>, %arg6: memref<1024xf32, #tpu.memory_space<vmem>>, %arg7: memref<!tpu.dma_semaphore, #tpu.memory_space<semaphore_mem>>, %arg8: memref<!tpu.dma_semaphore, #tpu.memory_space<semaphore_mem>>) attributes {dimension_semantics = [#tpu.dimension_semantics<core_parallel>, #tpu.dimension_semantics<subcore_parallel>], iteration_bounds = array<i64: 1, 16>, scalar_prefetch = 0 : i64, scratch_operands = 4 : i64, tpu.core_type = #tpu.core_type<sc_vector_subcore>, window_params = [{transform_indices = #map}, {transform_indices = #map1}, {transform_indices = #map1}]} {
    %mul3A = arith.constant 1024 : i32
    %mul3A_0 = arith.muli %arg1, %mul3A : i32
    %mul3A_1 = arith.constant 8 : i32
    %mul3A_2 = arith.muli %arg1, %mul3A_1 : i32
    "tpu.region"() ({
      %run_scoped3A = tpu.sem_alloc : memref<!tpu.dma_semaphore, #tpu.memory_space<semaphore_mem>>
      %dma_start3A_240 = arith.constant 0 : i32
      %dma_start3A_241 = tpu.memref_slice %arg2[%mul3A_2, %dma_start3A_240] : memref<128x128xi32, #tpu.memory_space<hbm>> -> memref<8x128xi32, #tpu.memory_space<hbm>>
      %dma_start3A_242 = arith.constant 0 : i32
      %dma_start3A_243 = tpu.memref_slice %arg2[%mul3A_2, %dma_start3A_242] : memref<128x128xi32, #tpu.memory_space<hbm>> -> memref<8x128xi32, #tpu.memory_space<hbm>>
      tpu.enqueue_dma source(%dma_start3A_243 : memref<8x128xi32, #tpu.memory_space<hbm>>) target(%arg5 : memref<8x128xi32, #tpu.memory_space<vmem>>) target_semaphore(%run_scoped3A : memref<!tpu.dma_semaphore, #tpu.memory_space<semaphore_mem>>)
      %dma_wait3A_244 = arith.constant 0 : i32
      %dma_wait3A_245 = tpu.memref_slice %arg2[%mul3A_2, %dma_wait3A_244] : memref<128x128xi32, #tpu.memory_space<hbm>> -> memref<8x128xi32, #tpu.memory_space<hbm>>
      %dma_wait3A_246 = arith.constant 0 : i32
      %dma_wait3A_247 = tpu.memref_slice %arg2[%mul3A_2, %dma_wait3A_246] : memref<128x128xi32, #tpu.memory_space<hbm>> -> memref<8x128xi32, #tpu.memory_space<hbm>>
      tpu.wait_dma2 semaphore(%run_scoped3A : memref<!tpu.dma_semaphore, #tpu.memory_space<semaphore_mem>>) src(%dma_wait3A_247 : memref<8x128xi32, #tpu.memory_space<hbm>>) dst(%arg5 : memref<8x128xi32, #tpu.memory_space<vmem>>)
      tpu.yield
    }) : () -> ()
    %dma_start3A = arith.constant 0 : i32
    %dma_start3A_3 = arith.constant 0 : i32
    %dma_start3A_4 = tpu.memref_slice %arg6[%dma_start3A_3] : memref<1024xf32, #tpu.memory_space<vmem>> -> memref<128xf32, #tpu.memory_space<vmem>>
    %dma_start3A_5 = arith.constant 0 : i32
    %dma_start3A_6 = tpu.memref_slice %arg5[%dma_start3A, %dma_start3A_5] : memref<8x128xi32, #tpu.memory_space<vmem>> -> memref<1x128xi32, #tpu.memory_space<vmem>>
    %dma_start3A_7 = tpu.memref_squeeze %dma_start3A_6 : memref<1x128xi32, #tpu.memory_space<vmem>> -> memref<128xi32, #tpu.memory_space<vmem>>
    %dma_start3A_8 = arith.constant 0 : i32
    %dma_start3A_9 = tpu.memref_slice %arg3[%dma_start3A_8] : memref<1000000xf32, #tpu.memory_space<hbm>> -> memref<1000000xf32, #tpu.memory_space<hbm>>
    tpu.enqueue_indirect_dma source(%dma_start3A_9 : memref<1000000xf32, #tpu.memory_space<hbm>>) target(%dma_start3A_4 : memref<128xf32, #tpu.memory_space<vmem>>) offsets(%dma_start3A_7 : memref<128xi32, #tpu.memory_space<vmem>>) semaphore(%arg7 : memref<!tpu.dma_semaphore, #tpu.memory_space<semaphore_mem>>)
    %dma_start3A_10 = arith.constant 1 : i32
    %dma_start3A_11 = arith.constant 128 : i32
    %dma_start3A_12 = tpu.memref_slice %arg6[%dma_start3A_11] : memref<1024xf32, #tpu.memory_space<vmem>> -> memref<128xf32, #tpu.memory_space<vmem>>
    %dma_start3A_13 = arith.constant 0 : i32
    %dma_start3A_14 = tpu.memref_slice %arg5[%dma_start3A_10, %dma_start3A_13] : memref<8x128xi32, #tpu.memory_space<vmem>> -> memref<1x128xi32, #tpu.memory_space<vmem>>
    %dma_start3A_15 = tpu.memref_squeeze %dma_start3A_14 : memref<1x128xi32, #tpu.memory_space<vmem>> -> memref<128xi32, #tpu.memory_space<vmem>>
    %dma_start3A_16 = arith.constant 0 : i32
    %dma_start3A_17 = tpu.memref_slice %arg3[%dma_start3A_16] : memref<1000000xf32, #tpu.memory_space<hbm>> -> memref<1000000xf32, #tpu.memory_space<hbm>>
    tpu.enqueue_indirect_dma source(%dma_start3A_17 : memref<1000000xf32, #tpu.memory_space<hbm>>) target(%dma_start3A_12 : memref<128xf32, #tpu.memory_space<vmem>>) offsets(%dma_start3A_15 : memref<128xi32, #tpu.memory_space<vmem>>) semaphore(%arg7 : memref<!tpu.dma_semaphore, #tpu.memory_space<semaphore_mem>>)
    %dma_start3A_18 = arith.constant 2 : i32
    %dma_start3A_19 = arith.constant 256 : i32
    %dma_start3A_20 = tpu.memref_slice %arg6[%dma_start3A_19] : memref<1024xf32, #tpu.memory_space<vmem>> -> memref<128xf32, #tpu.memory_space<vmem>>
    %dma_start3A_21 = arith.constant 0 : i32
    %dma_start3A_22 = tpu.memref_slice %arg5[%dma_start3A_18, %dma_start3A_21] : memref<8x128xi32, #tpu.memory_space<vmem>> -> memref<1x128xi32, #tpu.memory_space<vmem>>
    %dma_start3A_23 = tpu.memref_squeeze %dma_start3A_22 : memref<1x128xi32, #tpu.memory_space<vmem>> -> memref<128xi32, #tpu.memory_space<vmem>>
    %dma_start3A_24 = arith.constant 0 : i32
    %dma_start3A_25 = tpu.memref_slice %arg3[%dma_start3A_24] : memref<1000000xf32, #tpu.memory_space<hbm>> -> memref<1000000xf32, #tpu.memory_space<hbm>>
    tpu.enqueue_indirect_dma source(%dma_start3A_25 : memref<1000000xf32, #tpu.memory_space<hbm>>) target(%dma_start3A_20 : memref<128xf32, #tpu.memory_space<vmem>>) offsets(%dma_start3A_23 : memref<128xi32, #tpu.memory_space<vmem>>) semaphore(%arg7 : memref<!tpu.dma_semaphore, #tpu.memory_space<semaphore_mem>>)
    %dma_start3A_26 = arith.constant 3 : i32
    %dma_start3A_27 = arith.constant 384 : i32
    %dma_start3A_28 = tpu.memref_slice %arg6[%dma_start3A_27] : memref<1024xf32, #tpu.memory_space<vmem>> -> memref<128xf32, #tpu.memory_space<vmem>>
    %dma_start3A_29 = arith.constant 0 : i32
    %dma_start3A_30 = tpu.memref_slice %arg5[%dma_start3A_26, %dma_start3A_29] : memref<8x128xi32, #tpu.memory_space<vmem>> -> memref<1x128xi32, #tpu.memory_space<vmem>>
    %dma_start3A_31 = tpu.memref_squeeze %dma_start3A_30 : memref<1x128xi32, #tpu.memory_space<vmem>> -> memref<128xi32, #tpu.memory_space<vmem>>
    %dma_start3A_32 = arith.constant 0 : i32
    %dma_start3A_33 = tpu.memref_slice %arg3[%dma_start3A_32] : memref<1000000xf32, #tpu.memory_space<hbm>> -> memref<1000000xf32, #tpu.memory_space<hbm>>
    tpu.enqueue_indirect_dma source(%dma_start3A_33 : memref<1000000xf32, #tpu.memory_space<hbm>>) target(%dma_start3A_28 : memref<128xf32, #tpu.memory_space<vmem>>) offsets(%dma_start3A_31 : memref<128xi32, #tpu.memory_space<vmem>>) semaphore(%arg7 : memref<!tpu.dma_semaphore, #tpu.memory_space<semaphore_mem>>)
    %dma_start3A_34 = arith.constant 4 : i32
    %dma_start3A_35 = arith.constant 512 : i32
    %dma_start3A_36 = tpu.memref_slice %arg6[%dma_start3A_35] : memref<1024xf32, #tpu.memory_space<vmem>> -> memref<128xf32, #tpu.memory_space<vmem>>
    %dma_start3A_37 = arith.constant 0 : i32
    %dma_start3A_38 = tpu.memref_slice %arg5[%dma_start3A_34, %dma_start3A_37] : memref<8x128xi32, #tpu.memory_space<vmem>> -> memref<1x128xi32, #tpu.memory_space<vmem>>
    %dma_start3A_39 = tpu.memref_squeeze %dma_start3A_38 : memref<1x128xi32, #tpu.memory_space<vmem>> -> memref<128xi32, #tpu.memory_space<vmem>>
    %dma_start3A_40 = arith.constant 0 : i32
    %dma_start3A_41 = tpu.memref_slice %arg3[%dma_start3A_40] : memref<1000000xf32, #tpu.memory_space<hbm>> -> memref<1000000xf32, #tpu.memory_space<hbm>>
    tpu.enqueue_indirect_dma source(%dma_start3A_41 : memref<1000000xf32, #tpu.memory_space<hbm>>) target(%dma_start3A_36 : memref<128xf32, #tpu.memory_space<vmem>>) offsets(%dma_start3A_39 : memref<128xi32, #tpu.memory_space<vmem>>) semaphore(%arg7 : memref<!tpu.dma_semaphore, #tpu.memory_space<semaphore_mem>>)
    %dma_start3A_42 = arith.constant 5 : i32
    %dma_start3A_43 = arith.constant 640 : i32
    %dma_start3A_44 = tpu.memref_slice %arg6[%dma_start3A_43] : memref<1024xf32, #tpu.memory_space<vmem>> -> memref<128xf32, #tpu.memory_space<vmem>>
    %dma_start3A_45 = arith.constant 0 : i32
    %dma_start3A_46 = tpu.memref_slice %arg5[%dma_start3A_42, %dma_start3A_45] : memref<8x128xi32, #tpu.memory_space<vmem>> -> memref<1x128xi32, #tpu.memory_space<vmem>>
    %dma_start3A_47 = tpu.memref_squeeze %dma_start3A_46 : memref<1x128xi32, #tpu.memory_space<vmem>> -> memref<128xi32, #tpu.memory_space<vmem>>
    %dma_start3A_48 = arith.constant 0 : i32
    %dma_start3A_49 = tpu.memref_slice %arg3[%dma_start3A_48] : memref<1000000xf32, #tpu.memory_space<hbm>> -> memref<1000000xf32, #tpu.memory_space<hbm>>
    tpu.enqueue_indirect_dma source(%dma_start3A_49 : memref<1000000xf32, #tpu.memory_space<hbm>>) target(%dma_start3A_44 : memref<128xf32, #tpu.memory_space<vmem>>) offsets(%dma_start3A_47 : memref<128xi32, #tpu.memory_space<vmem>>) semaphore(%arg7 : memref<!tpu.dma_semaphore, #tpu.memory_space<semaphore_mem>>)
    %dma_start3A_50 = arith.constant 6 : i32
    %dma_start3A_51 = arith.constant 768 : i32
    %dma_start3A_52 = tpu.memref_slice %arg6[%dma_start3A_51] : memref<1024xf32, #tpu.memory_space<vmem>> -> memref<128xf32, #tpu.memory_space<vmem>>
    %dma_start3A_53 = arith.constant 0 : i32
    %dma_start3A_54 = tpu.memref_slice %arg5[%dma_start3A_50, %dma_start3A_53] : memref<8x128xi32, #tpu.memory_space<vmem>> -> memref<1x128xi32, #tpu.memory_space<vmem>>
    %dma_start3A_55 = tpu.memref_squeeze %dma_start3A_54 : memref<1x128xi32, #tpu.memory_space<vmem>> -> memref<128xi32, #tpu.memory_space<vmem>>
    %dma_start3A_56 = arith.constant 0 : i32
    %dma_start3A_57 = tpu.memref_slice %arg3[%dma_start3A_56] : memref<1000000xf32, #tpu.memory_space<hbm>> -> memref<1000000xf32, #tpu.memory_space<hbm>>
    tpu.enqueue_indirect_dma source(%dma_start3A_57 : memref<1000000xf32, #tpu.memory_space<hbm>>) target(%dma_start3A_52 : memref<128xf32, #tpu.memory_space<vmem>>) offsets(%dma_start3A_55 : memref<128xi32, #tpu.memory_space<vmem>>) semaphore(%arg7 : memref<!tpu.dma_semaphore, #tpu.memory_space<semaphore_mem>>)
    %dma_start3A_58 = arith.constant 7 : i32
    %dma_start3A_59 = arith.constant 896 : i32
    %dma_start3A_60 = tpu.memref_slice %arg6[%dma_start3A_59] : memref<1024xf32, #tpu.memory_space<vmem>> -> memref<128xf32, #tpu.memory_space<vmem>>
    %dma_start3A_61 = arith.constant 0 : i32
    %dma_start3A_62 = tpu.memref_slice %arg5[%dma_start3A_58, %dma_start3A_61] : memref<8x128xi32, #tpu.memory_space<vmem>> -> memref<1x128xi32, #tpu.memory_space<vmem>>
    %dma_start3A_63 = tpu.memref_squeeze %dma_start3A_62 : memref<1x128xi32, #tpu.memory_space<vmem>> -> memref<128xi32, #tpu.memory_space<vmem>>
    %dma_start3A_64 = arith.constant 0 : i32
    %dma_start3A_65 = tpu.memref_slice %arg3[%dma_start3A_64] : memref<1000000xf32, #tpu.memory_space<hbm>> -> memref<1000000xf32, #tpu.memory_space<hbm>>
    tpu.enqueue_indirect_dma source(%dma_start3A_65 : memref<1000000xf32, #tpu.memory_space<hbm>>) target(%dma_start3A_60 : memref<128xf32, #tpu.memory_space<vmem>>) offsets(%dma_start3A_63 : memref<128xi32, #tpu.memory_space<vmem>>) semaphore(%arg7 : memref<!tpu.dma_semaphore, #tpu.memory_space<semaphore_mem>>)
    %dma_wait3A = arith.constant 0 : i32
    %dma_wait3A_66 = arith.constant 0 : i32
    %dma_wait3A_67 = tpu.memref_slice %arg6[%dma_wait3A_66] : memref<1024xf32, #tpu.memory_space<vmem>> -> memref<128xf32, #tpu.memory_space<vmem>>
    %dma_wait3A_68 = arith.constant 0 : i32
    %dma_wait3A_69 = tpu.memref_slice %arg5[%dma_wait3A, %dma_wait3A_68] : memref<8x128xi32, #tpu.memory_space<vmem>> -> memref<1x128xi32, #tpu.memory_space<vmem>>
    %dma_wait3A_70 = tpu.memref_squeeze %dma_wait3A_69 : memref<1x128xi32, #tpu.memory_space<vmem>> -> memref<128xi32, #tpu.memory_space<vmem>>
    %dma_wait3A_71 = arith.constant 0 : i32
    %dma_wait3A_72 = tpu.memref_slice %arg3[%dma_wait3A_71] : memref<1000000xf32, #tpu.memory_space<hbm>> -> memref<1000000xf32, #tpu.memory_space<hbm>>
    tpu.wait_indirect_dma semaphore(%arg7 : memref<!tpu.dma_semaphore, #tpu.memory_space<semaphore_mem>>) src(%dma_wait3A_72 : memref<1000000xf32, #tpu.memory_space<hbm>>) dst(%dma_wait3A_67 : memref<128xf32, #tpu.memory_space<vmem>>)
    %add3A = arith.constant 0 : i32
    %add3A_73 = arith.addi %mul3A_0, %add3A : i32
    %dma_start3A_74 = arith.constant 0 : i32
    %dma_start3A_75 = tpu.memref_slice %arg6[%dma_start3A_74] : memref<1024xf32, #tpu.memory_space<vmem>> -> memref<128xf32, #tpu.memory_space<vmem>>
    %dma_start3A_76 = tpu.memref_slice %arg4[%add3A_73] : memref<16384xf32, #tpu.memory_space<hbm>> -> memref<128xf32, #tpu.memory_space<hbm>>
    %dma_start3A_77 = tpu.memref_slice %arg4[%add3A_73] : memref<16384xf32, #tpu.memory_space<hbm>> -> memref<128xf32, #tpu.memory_space<hbm>>
    %dma_start3A_78 = arith.constant 0 : i32
    %dma_start3A_79 = tpu.memref_slice %arg6[%dma_start3A_78] : memref<1024xf32, #tpu.memory_space<vmem>> -> memref<128xf32, #tpu.memory_space<vmem>>
    tpu.enqueue_dma source(%dma_start3A_79 : memref<128xf32, #tpu.memory_space<vmem>>) target(%dma_start3A_77 : memref<128xf32, #tpu.memory_space<hbm>>) target_semaphore(%arg8 : memref<!tpu.dma_semaphore, #tpu.memory_space<semaphore_mem>>)
    %dma_wait3A_80 = arith.constant 1 : i32
    %dma_wait3A_81 = arith.constant 128 : i32
    %dma_wait3A_82 = tpu.memref_slice %arg6[%dma_wait3A_81] : memref<1024xf32, #tpu.memory_space<vmem>> -> memref<128xf32, #tpu.memory_space<vmem>>
    %dma_wait3A_83 = arith.constant 0 : i32
    %dma_wait3A_84 = tpu.memref_slice %arg5[%dma_wait3A_80, %dma_wait3A_83] : memref<8x128xi32, #tpu.memory_space<vmem>> -> memref<1x128xi32, #tpu.memory_space<vmem>>
    %dma_wait3A_85 = tpu.memref_squeeze %dma_wait3A_84 : memref<1x128xi32, #tpu.memory_space<vmem>> -> memref<128xi32, #tpu.memory_space<vmem>>
    %dma_wait3A_86 = arith.constant 0 : i32
    %dma_wait3A_87 = tpu.memref_slice %arg3[%dma_wait3A_86] : memref<1000000xf32, #tpu.memory_space<hbm>> -> memref<1000000xf32, #tpu.memory_space<hbm>>
    tpu.wait_indirect_dma semaphore(%arg7 : memref<!tpu.dma_semaphore, #tpu.memory_space<semaphore_mem>>) src(%dma_wait3A_87 : memref<1000000xf32, #tpu.memory_space<hbm>>) dst(%dma_wait3A_82 : memref<128xf32, #tpu.memory_space<vmem>>)
    %add3A_88 = arith.constant 128 : i32
    %add3A_89 = arith.addi %mul3A_0, %add3A_88 : i32
    %dma_start3A_90 = arith.constant 128 : i32
    %dma_start3A_91 = tpu.memref_slice %arg6[%dma_start3A_90] : memref<1024xf32, #tpu.memory_space<vmem>> -> memref<128xf32, #tpu.memory_space<vmem>>
    %dma_start3A_92 = tpu.memref_slice %arg4[%add3A_89] : memref<16384xf32, #tpu.memory_space<hbm>> -> memref<128xf32, #tpu.memory_space<hbm>>
    %dma_start3A_93 = tpu.memref_slice %arg4[%add3A_89] : memref<16384xf32, #tpu.memory_space<hbm>> -> memref<128xf32, #tpu.memory_space<hbm>>
    %dma_start3A_94 = arith.constant 128 : i32
    %dma_start3A_95 = tpu.memref_slice %arg6[%dma_start3A_94] : memref<1024xf32, #tpu.memory_space<vmem>> -> memref<128xf32, #tpu.memory_space<vmem>>
    tpu.enqueue_dma source(%dma_start3A_95 : memref<128xf32, #tpu.memory_space<vmem>>) target(%dma_start3A_93 : memref<128xf32, #tpu.memory_space<hbm>>) target_semaphore(%arg8 : memref<!tpu.dma_semaphore, #tpu.memory_space<semaphore_mem>>)
    %dma_wait3A_96 = arith.constant 2 : i32
    %dma_wait3A_97 = arith.constant 256 : i32
    %dma_wait3A_98 = tpu.memref_slice %arg6[%dma_wait3A_97] : memref<1024xf32, #tpu.memory_space<vmem>> -> memref<128xf32, #tpu.memory_space<vmem>>
    %dma_wait3A_99 = arith.constant 0 : i32
    %dma_wait3A_100 = tpu.memref_slice %arg5[%dma_wait3A_96, %dma_wait3A_99] : memref<8x128xi32, #tpu.memory_space<vmem>> -> memref<1x128xi32, #tpu.memory_space<vmem>>
    %dma_wait3A_101 = tpu.memref_squeeze %dma_wait3A_100 : memref<1x128xi32, #tpu.memory_space<vmem>> -> memref<128xi32, #tpu.memory_space<vmem>>
    %dma_wait3A_102 = arith.constant 0 : i32
    %dma_wait3A_103 = tpu.memref_slice %arg3[%dma_wait3A_102] : memref<1000000xf32, #tpu.memory_space<hbm>> -> memref<1000000xf32, #tpu.memory_space<hbm>>
    tpu.wait_indirect_dma semaphore(%arg7 : memref<!tpu.dma_semaphore, #tpu.memory_space<semaphore_mem>>) src(%dma_wait3A_103 : memref<1000000xf32, #tpu.memory_space<hbm>>) dst(%dma_wait3A_98 : memref<128xf32, #tpu.memory_space<vmem>>)
    %add3A_104 = arith.constant 256 : i32
    %add3A_105 = arith.addi %mul3A_0, %add3A_104 : i32
    %dma_start3A_106 = arith.constant 256 : i32
    %dma_start3A_107 = tpu.memref_slice %arg6[%dma_start3A_106] : memref<1024xf32, #tpu.memory_space<vmem>> -> memref<128xf32, #tpu.memory_space<vmem>>
    %dma_start3A_108 = tpu.memref_slice %arg4[%add3A_105] : memref<16384xf32, #tpu.memory_space<hbm>> -> memref<128xf32, #tpu.memory_space<hbm>>
    %dma_start3A_109 = tpu.memref_slice %arg4[%add3A_105] : memref<16384xf32, #tpu.memory_space<hbm>> -> memref<128xf32, #tpu.memory_space<hbm>>
    %dma_start3A_110 = arith.constant 256 : i32
    %dma_start3A_111 = tpu.memref_slice %arg6[%dma_start3A_110] : memref<1024xf32, #tpu.memory_space<vmem>> -> memref<128xf32, #tpu.memory_space<vmem>>
    tpu.enqueue_dma source(%dma_start3A_111 : memref<128xf32, #tpu.memory_space<vmem>>) target(%dma_start3A_109 : memref<128xf32, #tpu.memory_space<hbm>>) target_semaphore(%arg8 : memref<!tpu.dma_semaphore, #tpu.memory_space<semaphore_mem>>)
    %dma_wait3A_112 = arith.constant 3 : i32
    %dma_wait3A_113 = arith.constant 384 : i32
    %dma_wait3A_114 = tpu.memref_slice %arg6[%dma_wait3A_113] : memref<1024xf32, #tpu.memory_space<vmem>> -> memref<128xf32, #tpu.memory_space<vmem>>
    %dma_wait3A_115 = arith.constant 0 : i32
    %dma_wait3A_116 = tpu.memref_slice %arg5[%dma_wait3A_112, %dma_wait3A_115] : memref<8x128xi32, #tpu.memory_space<vmem>> -> memref<1x128xi32, #tpu.memory_space<vmem>>
    %dma_wait3A_117 = tpu.memref_squeeze %dma_wait3A_116 : memref<1x128xi32, #tpu.memory_space<vmem>> -> memref<128xi32, #tpu.memory_space<vmem>>
    %dma_wait3A_118 = arith.constant 0 : i32
    %dma_wait3A_119 = tpu.memref_slice %arg3[%dma_wait3A_118] : memref<1000000xf32, #tpu.memory_space<hbm>> -> memref<1000000xf32, #tpu.memory_space<hbm>>
    tpu.wait_indirect_dma semaphore(%arg7 : memref<!tpu.dma_semaphore, #tpu.memory_space<semaphore_mem>>) src(%dma_wait3A_119 : memref<1000000xf32, #tpu.memory_space<hbm>>) dst(%dma_wait3A_114 : memref<128xf32, #tpu.memory_space<vmem>>)
    %add3A_120 = arith.constant 384 : i32
    %add3A_121 = arith.addi %mul3A_0, %add3A_120 : i32
    %dma_start3A_122 = arith.constant 384 : i32
    %dma_start3A_123 = tpu.memref_slice %arg6[%dma_start3A_122] : memref<1024xf32, #tpu.memory_space<vmem>> -> memref<128xf32, #tpu.memory_space<vmem>>
    %dma_start3A_124 = tpu.memref_slice %arg4[%add3A_121] : memref<16384xf32, #tpu.memory_space<hbm>> -> memref<128xf32, #tpu.memory_space<hbm>>
    %dma_start3A_125 = tpu.memref_slice %arg4[%add3A_121] : memref<16384xf32, #tpu.memory_space<hbm>> -> memref<128xf32, #tpu.memory_space<hbm>>
    %dma_start3A_126 = arith.constant 384 : i32
    %dma_start3A_127 = tpu.memref_slice %arg6[%dma_start3A_126] : memref<1024xf32, #tpu.memory_space<vmem>> -> memref<128xf32, #tpu.memory_space<vmem>>
    tpu.enqueue_dma source(%dma_start3A_127 : memref<128xf32, #tpu.memory_space<vmem>>) target(%dma_start3A_125 : memref<128xf32, #tpu.memory_space<hbm>>) target_semaphore(%arg8 : memref<!tpu.dma_semaphore, #tpu.memory_space<semaphore_mem>>)
    %dma_wait3A_128 = arith.constant 4 : i32
    %dma_wait3A_129 = arith.constant 512 : i32
    %dma_wait3A_130 = tpu.memref_slice %arg6[%dma_wait3A_129] : memref<1024xf32, #tpu.memory_space<vmem>> -> memref<128xf32, #tpu.memory_space<vmem>>
    %dma_wait3A_131 = arith.constant 0 : i32
    %dma_wait3A_132 = tpu.memref_slice %arg5[%dma_wait3A_128, %dma_wait3A_131] : memref<8x128xi32, #tpu.memory_space<vmem>> -> memref<1x128xi32, #tpu.memory_space<vmem>>
    %dma_wait3A_133 = tpu.memref_squeeze %dma_wait3A_132 : memref<1x128xi32, #tpu.memory_space<vmem>> -> memref<128xi32, #tpu.memory_space<vmem>>
    %dma_wait3A_134 = arith.constant 0 : i32
    %dma_wait3A_135 = tpu.memref_slice %arg3[%dma_wait3A_134] : memref<1000000xf32, #tpu.memory_space<hbm>> -> memref<1000000xf32, #tpu.memory_space<hbm>>
    tpu.wait_indirect_dma semaphore(%arg7 : memref<!tpu.dma_semaphore, #tpu.memory_space<semaphore_mem>>) src(%dma_wait3A_135 : memref<1000000xf32, #tpu.memory_space<hbm>>) dst(%dma_wait3A_130 : memref<128xf32, #tpu.memory_space<vmem>>)
    %add3A_136 = arith.constant 512 : i32
    %add3A_137 = arith.addi %mul3A_0, %add3A_136 : i32
    %dma_start3A_138 = arith.constant 512 : i32
    %dma_start3A_139 = tpu.memref_slice %arg6[%dma_start3A_138] : memref<1024xf32, #tpu.memory_space<vmem>> -> memref<128xf32, #tpu.memory_space<vmem>>
    %dma_start3A_140 = tpu.memref_slice %arg4[%add3A_137] : memref<16384xf32, #tpu.memory_space<hbm>> -> memref<128xf32, #tpu.memory_space<hbm>>
    %dma_start3A_141 = tpu.memref_slice %arg4[%add3A_137] : memref<16384xf32, #tpu.memory_space<hbm>> -> memref<128xf32, #tpu.memory_space<hbm>>
    %dma_start3A_142 = arith.constant 512 : i32
    %dma_start3A_143 = tpu.memref_slice %arg6[%dma_start3A_142] : memref<1024xf32, #tpu.memory_space<vmem>> -> memref<128xf32, #tpu.memory_space<vmem>>
    tpu.enqueue_dma source(%dma_start3A_143 : memref<128xf32, #tpu.memory_space<vmem>>) target(%dma_start3A_141 : memref<128xf32, #tpu.memory_space<hbm>>) target_semaphore(%arg8 : memref<!tpu.dma_semaphore, #tpu.memory_space<semaphore_mem>>)
    %dma_wait3A_144 = arith.constant 5 : i32
    %dma_wait3A_145 = arith.constant 640 : i32
    %dma_wait3A_146 = tpu.memref_slice %arg6[%dma_wait3A_145] : memref<1024xf32, #tpu.memory_space<vmem>> -> memref<128xf32, #tpu.memory_space<vmem>>
    %dma_wait3A_147 = arith.constant 0 : i32
    %dma_wait3A_148 = tpu.memref_slice %arg5[%dma_wait3A_144, %dma_wait3A_147] : memref<8x128xi32, #tpu.memory_space<vmem>> -> memref<1x128xi32, #tpu.memory_space<vmem>>
    %dma_wait3A_149 = tpu.memref_squeeze %dma_wait3A_148 : memref<1x128xi32, #tpu.memory_space<vmem>> -> memref<128xi32, #tpu.memory_space<vmem>>
    %dma_wait3A_150 = arith.constant 0 : i32
    %dma_wait3A_151 = tpu.memref_slice %arg3[%dma_wait3A_150] : memref<1000000xf32, #tpu.memory_space<hbm>> -> memref<1000000xf32, #tpu.memory_space<hbm>>
    tpu.wait_indirect_dma semaphore(%arg7 : memref<!tpu.dma_semaphore, #tpu.memory_space<semaphore_mem>>) src(%dma_wait3A_151 : memref<1000000xf32, #tpu.memory_space<hbm>>) dst(%dma_wait3A_146 : memref<128xf32, #tpu.memory_space<vmem>>)
    %add3A_152 = arith.constant 640 : i32
    %add3A_153 = arith.addi %mul3A_0, %add3A_152 : i32
    %dma_start3A_154 = arith.constant 640 : i32
    %dma_start3A_155 = tpu.memref_slice %arg6[%dma_start3A_154] : memref<1024xf32, #tpu.memory_space<vmem>> -> memref<128xf32, #tpu.memory_space<vmem>>
    %dma_start3A_156 = tpu.memref_slice %arg4[%add3A_153] : memref<16384xf32, #tpu.memory_space<hbm>> -> memref<128xf32, #tpu.memory_space<hbm>>
    %dma_start3A_157 = tpu.memref_slice %arg4[%add3A_153] : memref<16384xf32, #tpu.memory_space<hbm>> -> memref<128xf32, #tpu.memory_space<hbm>>
    %dma_start3A_158 = arith.constant 640 : i32
    %dma_start3A_159 = tpu.memref_slice %arg6[%dma_start3A_158] : memref<1024xf32, #tpu.memory_space<vmem>> -> memref<128xf32, #tpu.memory_space<vmem>>
    tpu.enqueue_dma source(%dma_start3A_159 : memref<128xf32, #tpu.memory_space<vmem>>) target(%dma_start3A_157 : memref<128xf32, #tpu.memory_space<hbm>>) target_semaphore(%arg8 : memref<!tpu.dma_semaphore, #tpu.memory_space<semaphore_mem>>)
    %dma_wait3A_160 = arith.constant 6 : i32
    %dma_wait3A_161 = arith.constant 768 : i32
    %dma_wait3A_162 = tpu.memref_slice %arg6[%dma_wait3A_161] : memref<1024xf32, #tpu.memory_space<vmem>> -> memref<128xf32, #tpu.memory_space<vmem>>
    %dma_wait3A_163 = arith.constant 0 : i32
    %dma_wait3A_164 = tpu.memref_slice %arg5[%dma_wait3A_160, %dma_wait3A_163] : memref<8x128xi32, #tpu.memory_space<vmem>> -> memref<1x128xi32, #tpu.memory_space<vmem>>
    %dma_wait3A_165 = tpu.memref_squeeze %dma_wait3A_164 : memref<1x128xi32, #tpu.memory_space<vmem>> -> memref<128xi32, #tpu.memory_space<vmem>>
    %dma_wait3A_166 = arith.constant 0 : i32
    %dma_wait3A_167 = tpu.memref_slice %arg3[%dma_wait3A_166] : memref<1000000xf32, #tpu.memory_space<hbm>> -> memref<1000000xf32, #tpu.memory_space<hbm>>
    tpu.wait_indirect_dma semaphore(%arg7 : memref<!tpu.dma_semaphore, #tpu.memory_space<semaphore_mem>>) src(%dma_wait3A_167 : memref<1000000xf32, #tpu.memory_space<hbm>>) dst(%dma_wait3A_162 : memref<128xf32, #tpu.memory_space<vmem>>)
    %add3A_168 = arith.constant 768 : i32
    %add3A_169 = arith.addi %mul3A_0, %add3A_168 : i32
    %dma_start3A_170 = arith.constant 768 : i32
    %dma_start3A_171 = tpu.memref_slice %arg6[%dma_start3A_170] : memref<1024xf32, #tpu.memory_space<vmem>> -> memref<128xf32, #tpu.memory_space<vmem>>
    %dma_start3A_172 = tpu.memref_slice %arg4[%add3A_169] : memref<16384xf32, #tpu.memory_space<hbm>> -> memref<128xf32, #tpu.memory_space<hbm>>
    %dma_start3A_173 = tpu.memref_slice %arg4[%add3A_169] : memref<16384xf32, #tpu.memory_space<hbm>> -> memref<128xf32, #tpu.memory_space<hbm>>
    %dma_start3A_174 = arith.constant 768 : i32
    %dma_start3A_175 = tpu.memref_slice %arg6[%dma_start3A_174] : memref<1024xf32, #tpu.memory_space<vmem>> -> memref<128xf32, #tpu.memory_space<vmem>>
    tpu.enqueue_dma source(%dma_start3A_175 : memref<128xf32, #tpu.memory_space<vmem>>) target(%dma_start3A_173 : memref<128xf32, #tpu.memory_space<hbm>>) target_semaphore(%arg8 : memref<!tpu.dma_semaphore, #tpu.memory_space<semaphore_mem>>)
    %dma_wait3A_176 = arith.constant 7 : i32
    %dma_wait3A_177 = arith.constant 896 : i32
    %dma_wait3A_178 = tpu.memref_slice %arg6[%dma_wait3A_177] : memref<1024xf32, #tpu.memory_space<vmem>> -> memref<128xf32, #tpu.memory_space<vmem>>
    %dma_wait3A_179 = arith.constant 0 : i32
    %dma_wait3A_180 = tpu.memref_slice %arg5[%dma_wait3A_176, %dma_wait3A_179] : memref<8x128xi32, #tpu.memory_space<vmem>> -> memref<1x128xi32, #tpu.memory_space<vmem>>
    %dma_wait3A_181 = tpu.memref_squeeze %dma_wait3A_180 : memref<1x128xi32, #tpu.memory_space<vmem>> -> memref<128xi32, #tpu.memory_space<vmem>>
    %dma_wait3A_182 = arith.constant 0 : i32
    %dma_wait3A_183 = tpu.memref_slice %arg3[%dma_wait3A_182] : memref<1000000xf32, #tpu.memory_space<hbm>> -> memref<1000000xf32, #tpu.memory_space<hbm>>
    tpu.wait_indirect_dma semaphore(%arg7 : memref<!tpu.dma_semaphore, #tpu.memory_space<semaphore_mem>>) src(%dma_wait3A_183 : memref<1000000xf32, #tpu.memory_space<hbm>>) dst(%dma_wait3A_178 : memref<128xf32, #tpu.memory_space<vmem>>)
    %add3A_184 = arith.constant 896 : i32
    %add3A_185 = arith.addi %mul3A_0, %add3A_184 : i32
    %dma_start3A_186 = arith.constant 896 : i32
    %dma_start3A_187 = tpu.memref_slice %arg6[%dma_start3A_186] : memref<1024xf32, #tpu.memory_space<vmem>> -> memref<128xf32, #tpu.memory_space<vmem>>
    %dma_start3A_188 = tpu.memref_slice %arg4[%add3A_185] : memref<16384xf32, #tpu.memory_space<hbm>> -> memref<128xf32, #tpu.memory_space<hbm>>
    %dma_start3A_189 = tpu.memref_slice %arg4[%add3A_185] : memref<16384xf32, #tpu.memory_space<hbm>> -> memref<128xf32, #tpu.memory_space<hbm>>
    %dma_start3A_190 = arith.constant 896 : i32
    %dma_start3A_191 = tpu.memref_slice %arg6[%dma_start3A_190] : memref<1024xf32, #tpu.memory_space<vmem>> -> memref<128xf32, #tpu.memory_space<vmem>>
    tpu.enqueue_dma source(%dma_start3A_191 : memref<128xf32, #tpu.memory_space<vmem>>) target(%dma_start3A_189 : memref<128xf32, #tpu.memory_space<hbm>>) target_semaphore(%arg8 : memref<!tpu.dma_semaphore, #tpu.memory_space<semaphore_mem>>)
    %dma_wait3A_192 = arith.constant 0 : i32
    %dma_wait3A_193 = tpu.memref_slice %arg6[%dma_wait3A_192] : memref<1024xf32, #tpu.memory_space<vmem>> -> memref<128xf32, #tpu.memory_space<vmem>>
    %dma_wait3A_194 = tpu.memref_slice %arg4[%add3A_73] : memref<16384xf32, #tpu.memory_space<hbm>> -> memref<128xf32, #tpu.memory_space<hbm>>
    %dma_wait3A_195 = tpu.memref_slice %arg4[%add3A_73] : memref<16384xf32, #tpu.memory_space<hbm>> -> memref<128xf32, #tpu.memory_space<hbm>>
    %dma_wait3A_196 = arith.constant 0 : i32
    %dma_wait3A_197 = tpu.memref_slice %arg6[%dma_wait3A_196] : memref<1024xf32, #tpu.memory_space<vmem>> -> memref<128xf32, #tpu.memory_space<vmem>>
    tpu.wait_dma2 semaphore(%arg8 : memref<!tpu.dma_semaphore, #tpu.memory_space<semaphore_mem>>) src(%dma_wait3A_197 : memref<128xf32, #tpu.memory_space<vmem>>) dst(%dma_wait3A_195 : memref<128xf32, #tpu.memory_space<hbm>>)
    %dma_wait3A_198 = arith.constant 128 : i32
    %dma_wait3A_199 = tpu.memref_slice %arg6[%dma_wait3A_198] : memref<1024xf32, #tpu.memory_space<vmem>> -> memref<128xf32, #tpu.memory_space<vmem>>
    %dma_wait3A_200 = tpu.memref_slice %arg4[%add3A_89] : memref<16384xf32, #tpu.memory_space<hbm>> -> memref<128xf32, #tpu.memory_space<hbm>>
    %dma_wait3A_201 = tpu.memref_slice %arg4[%add3A_89] : memref<16384xf32, #tpu.memory_space<hbm>> -> memref<128xf32, #tpu.memory_space<hbm>>
    %dma_wait3A_202 = arith.constant 128 : i32
    %dma_wait3A_203 = tpu.memref_slice %arg6[%dma_wait3A_202] : memref<1024xf32, #tpu.memory_space<vmem>> -> memref<128xf32, #tpu.memory_space<vmem>>
    tpu.wait_dma2 semaphore(%arg8 : memref<!tpu.dma_semaphore, #tpu.memory_space<semaphore_mem>>) src(%dma_wait3A_203 : memref<128xf32, #tpu.memory_space<vmem>>) dst(%dma_wait3A_201 : memref<128xf32, #tpu.memory_space<hbm>>)
    %dma_wait3A_204 = arith.constant 256 : i32
    %dma_wait3A_205 = tpu.memref_slice %arg6[%dma_wait3A_204] : memref<1024xf32, #tpu.memory_space<vmem>> -> memref<128xf32, #tpu.memory_space<vmem>>
    %dma_wait3A_206 = tpu.memref_slice %arg4[%add3A_105] : memref<16384xf32, #tpu.memory_space<hbm>> -> memref<128xf32, #tpu.memory_space<hbm>>
    %dma_wait3A_207 = tpu.memref_slice %arg4[%add3A_105] : memref<16384xf32, #tpu.memory_space<hbm>> -> memref<128xf32, #tpu.memory_space<hbm>>
    %dma_wait3A_208 = arith.constant 256 : i32
    %dma_wait3A_209 = tpu.memref_slice %arg6[%dma_wait3A_208] : memref<1024xf32, #tpu.memory_space<vmem>> -> memref<128xf32, #tpu.memory_space<vmem>>
    tpu.wait_dma2 semaphore(%arg8 : memref<!tpu.dma_semaphore, #tpu.memory_space<semaphore_mem>>) src(%dma_wait3A_209 : memref<128xf32, #tpu.memory_space<vmem>>) dst(%dma_wait3A_207 : memref<128xf32, #tpu.memory_space<hbm>>)
    %dma_wait3A_210 = arith.constant 384 : i32
    %dma_wait3A_211 = tpu.memref_slice %arg6[%dma_wait3A_210] : memref<1024xf32, #tpu.memory_space<vmem>> -> memref<128xf32, #tpu.memory_space<vmem>>
    %dma_wait3A_212 = tpu.memref_slice %arg4[%add3A_121] : memref<16384xf32, #tpu.memory_space<hbm>> -> memref<128xf32, #tpu.memory_space<hbm>>
    %dma_wait3A_213 = tpu.memref_slice %arg4[%add3A_121] : memref<16384xf32, #tpu.memory_space<hbm>> -> memref<128xf32, #tpu.memory_space<hbm>>
    %dma_wait3A_214 = arith.constant 384 : i32
    %dma_wait3A_215 = tpu.memref_slice %arg6[%dma_wait3A_214] : memref<1024xf32, #tpu.memory_space<vmem>> -> memref<128xf32, #tpu.memory_space<vmem>>
    tpu.wait_dma2 semaphore(%arg8 : memref<!tpu.dma_semaphore, #tpu.memory_space<semaphore_mem>>) src(%dma_wait3A_215 : memref<128xf32, #tpu.memory_space<vmem>>) dst(%dma_wait3A_213 : memref<128xf32, #tpu.memory_space<hbm>>)
    %dma_wait3A_216 = arith.constant 512 : i32
    %dma_wait3A_217 = tpu.memref_slice %arg6[%dma_wait3A_216] : memref<1024xf32, #tpu.memory_space<vmem>> -> memref<128xf32, #tpu.memory_space<vmem>>
    %dma_wait3A_218 = tpu.memref_slice %arg4[%add3A_137] : memref<16384xf32, #tpu.memory_space<hbm>> -> memref<128xf32, #tpu.memory_space<hbm>>
    %dma_wait3A_219 = tpu.memref_slice %arg4[%add3A_137] : memref<16384xf32, #tpu.memory_space<hbm>> -> memref<128xf32, #tpu.memory_space<hbm>>
    %dma_wait3A_220 = arith.constant 512 : i32
    %dma_wait3A_221 = tpu.memref_slice %arg6[%dma_wait3A_220] : memref<1024xf32, #tpu.memory_space<vmem>> -> memref<128xf32, #tpu.memory_space<vmem>>
    tpu.wait_dma2 semaphore(%arg8 : memref<!tpu.dma_semaphore, #tpu.memory_space<semaphore_mem>>) src(%dma_wait3A_221 : memref<128xf32, #tpu.memory_space<vmem>>) dst(%dma_wait3A_219 : memref<128xf32, #tpu.memory_space<hbm>>)
    %dma_wait3A_222 = arith.constant 640 : i32
    %dma_wait3A_223 = tpu.memref_slice %arg6[%dma_wait3A_222] : memref<1024xf32, #tpu.memory_space<vmem>> -> memref<128xf32, #tpu.memory_space<vmem>>
    %dma_wait3A_224 = tpu.memref_slice %arg4[%add3A_153] : memref<16384xf32, #tpu.memory_space<hbm>> -> memref<128xf32, #tpu.memory_space<hbm>>
    %dma_wait3A_225 = tpu.memref_slice %arg4[%add3A_153] : memref<16384xf32, #tpu.memory_space<hbm>> -> memref<128xf32, #tpu.memory_space<hbm>>
    %dma_wait3A_226 = arith.constant 640 : i32
    %dma_wait3A_227 = tpu.memref_slice %arg6[%dma_wait3A_226] : memref<1024xf32, #tpu.memory_space<vmem>> -> memref<128xf32, #tpu.memory_space<vmem>>
    tpu.wait_dma2 semaphore(%arg8 : memref<!tpu.dma_semaphore, #tpu.memory_space<semaphore_mem>>) src(%dma_wait3A_227 : memref<128xf32, #tpu.memory_space<vmem>>) dst(%dma_wait3A_225 : memref<128xf32, #tpu.memory_space<hbm>>)
    %dma_wait3A_228 = arith.constant 768 : i32
    %dma_wait3A_229 = tpu.memref_slice %arg6[%dma_wait3A_228] : memref<1024xf32, #tpu.memory_space<vmem>> -> memref<128xf32, #tpu.memory_space<vmem>>
    %dma_wait3A_230 = tpu.memref_slice %arg4[%add3A_169] : memref<16384xf32, #tpu.memory_space<hbm>> -> memref<128xf32, #tpu.memory_space<hbm>>
    %dma_wait3A_231 = tpu.memref_slice %arg4[%add3A_169] : memref<16384xf32, #tpu.memory_space<hbm>> -> memref<128xf32, #tpu.memory_space<hbm>>
    %dma_wait3A_232 = arith.constant 768 : i32
    %dma_wait3A_233 = tpu.memref_slice %arg6[%dma_wait3A_232] : memref<1024xf32, #tpu.memory_space<vmem>> -> memref<128xf32, #tpu.memory_space<vmem>>
    tpu.wait_dma2 semaphore(%arg8 : memref<!tpu.dma_semaphore, #tpu.memory_space<semaphore_mem>>) src(%dma_wait3A_233 : memref<128xf32, #tpu.memory_space<vmem>>) dst(%dma_wait3A_231 : memref<128xf32, #tpu.memory_space<hbm>>)
    %dma_wait3A_234 = arith.constant 896 : i32
    %dma_wait3A_235 = tpu.memref_slice %arg6[%dma_wait3A_234] : memref<1024xf32, #tpu.memory_space<vmem>> -> memref<128xf32, #tpu.memory_space<vmem>>
    %dma_wait3A_236 = tpu.memref_slice %arg4[%add3A_185] : memref<16384xf32, #tpu.memory_space<hbm>> -> memref<128xf32, #tpu.memory_space<hbm>>
    %dma_wait3A_237 = tpu.memref_slice %arg4[%add3A_185] : memref<16384xf32, #tpu.memory_space<hbm>> -> memref<128xf32, #tpu.memory_space<hbm>>
    %dma_wait3A_238 = arith.constant 896 : i32
    %dma_wait3A_239 = tpu.memref_slice %arg6[%dma_wait3A_238] : memref<1024xf32, #tpu.memory_space<vmem>> -> memref<128xf32, #tpu.memory_space<vmem>>
    tpu.wait_dma2 semaphore(%arg8 : memref<!tpu.dma_semaphore, #tpu.memory_space<semaphore_mem>>) src(%dma_wait3A_239 : memref<128xf32, #tpu.memory_space<vmem>>) dst(%dma_wait3A_237 : memref<128xf32, #tpu.memory_space<hbm>>)
    return
  }
}

module attributes {stable_mosaic.version = 14 : i64} {
  func.func @_matvec_body(%arg0: i32, %arg1: memref<64x4096xf32, #tpu.memory_space<vmem>>, %arg2: memref<64x4096xf32, #tpu.memory_space<vmem>>, %arg3: memref<1x64xf32, #tpu.memory_space<vmem>>, %arg4: memref<1x64xf32, #tpu.memory_space<vmem>>, %arg5: memref<4096xf32, #tpu.memory_space<vmem>>) attributes {dimension_semantics = [#tpu.dimension_semantics<arbitrary>], iteration_bounds = array<i64: 4>, scalar_prefetch = 0 : i64, scratch_operands = 0 : i64, tpu.core_type = #tpu.core_type<tc>, window_params = [{transform_indices = @transform_0, window_bounds = array<i64: 64, 4096>}, {transform_indices = @transform_1, window_bounds = array<i64: 64, 4096>}, {pipeline_mode = #tpu.pipeline_mode<synchronous>, transform_indices = @transform_2, window_bounds = array<i64: 1, 64>}, {pipeline_mode = #tpu.pipeline_mode<synchronous>, transform_indices = @transform_3, window_bounds = array<i64: 1, 64>}, {transform_indices = @transform_4, window_bounds = array<i64: 4096>}]} {
    %get3A = arith.constant 0 : index
    %get3A_0 = arith.constant 0 : index
    %get3A_1 = vector.load %arg1[%get3A, %get3A_0] : memref<64x4096xf32, #tpu.memory_space<vmem>>, vector<64x4096xf32>
    %get3A_2 = arith.constant 0 : index
    %get3A_3 = arith.constant 0 : index
    %get3A_4 = vector.load %arg2[%get3A_2, %get3A_3] : memref<64x4096xf32, #tpu.memory_space<vmem>>, vector<64x4096xf32>
    %get3A_5 = arith.constant 0 : index
    %get3A_6 = arith.constant 0 : index
    %get3A_7 = vector.load %arg3[%get3A_5, %get3A_6] : memref<1x64xf32, #tpu.memory_space<vmem>>, vector<1x64xf32>
    %get3A_8 = arith.constant 0 : index
    %get3A_9 = arith.constant 0 : index
    %get3A_10 = vector.load %arg4[%get3A_8, %get3A_9] : memref<1x64xf32, #tpu.memory_space<vmem>>, vector<1x64xf32>
    %dot_general3A = arith.constant dense<0.000000e+00> : vector<1x4096xf32>
    %dot_general3A_11 = tpu.matmul %get3A_7, %get3A_1, %dot_general3A {dimension_numbers = #tpu.dot_dimension_numbers<[1], [0], [0], [1], [0, 0, 1, 1], [], []>, transpose_lhs_hint = false} : vector<1x64xf32>, vector<64x4096xf32>, vector<1x4096xf32> -> vector<1x4096xf32>
    %dot_general3A_12 = arith.constant dense<0.000000e+00> : vector<1x4096xf32>
    %dot_general3A_13 = tpu.matmul %get3A_10, %get3A_4, %dot_general3A_12 {dimension_numbers = #tpu.dot_dimension_numbers<[1], [0], [0], [1], [0, 0, 1, 1], [], []>, transpose_lhs_hint = false} : vector<1x64xf32>, vector<64x4096xf32>, vector<1x4096xf32> -> vector<1x4096xf32>
    %add3A = arith.addf %dot_general3A_11, %dot_general3A_13 : vector<1x4096xf32>
    %reshape3A = vector.shape_cast %add3A : vector<1x4096xf32> to vector<4096xf32>
    %swap3A = arith.constant 0 : index
    %swap3A_14 = vector.load %arg5[%swap3A] : memref<4096xf32, #tpu.memory_space<vmem>>, vector<4096xf32>
    tpu.vector_store %arg5[%swap3A], %reshape3A {strides = array<i32>} : memref<4096xf32, #tpu.memory_space<vmem>>, vector<4096xf32>,
    return
  }
  func.func @transform_0(%arg0: i32) -> (i32, i32) {
    %c0_i32 = arith.constant 0 : i32
    %c0_i32_0 = arith.constant 0 : i32
    return %c0_i32, %arg0 : i32, i32
  }
  func.func @transform_1(%arg0: i32) -> (i32, i32) {
    %c0_i32 = arith.constant 0 : i32
    %c0_i32_0 = arith.constant 0 : i32
    return %c0_i32, %arg0 : i32, i32
  }
  func.func @transform_2(%arg0: i32) -> (i32, i32) {
    %c0_i32 = arith.constant 0 : i32
    %c0_i32_0 = arith.constant 0 : i32
    %c0_i32_1 = arith.constant 0 : i32
    return %c0_i32, %c0_i32_0 : i32, i32
  }
  func.func @transform_3(%arg0: i32) -> (i32, i32) {
    %c0_i32 = arith.constant 0 : i32
    %c0_i32_0 = arith.constant 0 : i32
    %c0_i32_1 = arith.constant 0 : i32
    return %c0_i32, %c0_i32_0 : i32, i32
  }
  func.func @transform_4(%arg0: i32) -> i32 {
    %c0_i32 = arith.constant 0 : i32
    return %arg0 : i32
  }
}

module attributes {stable_mosaic.version = 14 : i64} {
  func.func @_combine_body(%arg0: memref<16384xf32, #tpu.memory_space<vmem>>, %arg1: memref<16384xf32, #tpu.memory_space<vmem>>, %arg2: memref<16384xf32, #tpu.memory_space<vmem>>, %arg3: memref<16384xf32, #tpu.memory_space<vmem>>) attributes {dimension_semantics = [], scalar_prefetch = 0 : i64, scratch_operands = 0 : i64, tpu.core_type = #tpu.core_type<tc>} {
    %get3A = arith.constant 0 : index
    %get3A_0 = vector.load %arg0[%get3A] : memref<16384xf32, #tpu.memory_space<vmem>>, vector<16384xf32>
    %get3A_1 = arith.constant 0 : index
    %get3A_2 = vector.load %arg1[%get3A_1] : memref<16384xf32, #tpu.memory_space<vmem>>, vector<16384xf32>
    %get3A_3 = arith.constant 0 : index
    %get3A_4 = vector.load %arg2[%get3A_3] : memref<16384xf32, #tpu.memory_space<vmem>>, vector<16384xf32>
    %add3A = arith.addf %get3A_2, %get3A_4 : vector<16384xf32>
    %exp3A = math.exp %add3A : vector<16384xf32>
    %add3A_5 = arith.addf %get3A_0, %exp3A : vector<16384xf32>
    %swap3A = arith.constant 0 : index
    %swap3A_6 = vector.load %arg3[%swap3A] : memref<16384xf32, #tpu.memory_space<vmem>>, vector<16384xf32>
    tpu.vector_store %arg3[%swap3A], %add3A_5 {strides = array<i32>} : memref<16384xf32, #tpu.memory_space<vmem>>, vector<16384xf32>,
    return
  }
}

</mosaic_0001>

<sc_bundles>
// kernel: kernel.5.cloned.1.call-start
scs
__scs_entry_jumppad:
0x0: {  	(pc) =	sbr.rel $0x88, $3  }
0x1: {  	(tag) =	ssettag $0x0;
	lr =	simm.s32 $0x1  }
0x2: {  	[smem:$0x3F9A] =	sst lr;
	_ =	strace $0xD0000000  }
0x3: {  	_ = 	snop  }
0x4: {  	_ = 	snop  }
0x5: {  	_ = 	snop  }
0x6: {  	_ = 	snop  }
0x7: {  	_ = 	snop  }
__scs_overlays_trampoline_lowered:
0x8: {  	[smem:$0x3FA9] =	sst s0  }
0x9: {  	[smem:$0x3FAA] =	sst s1  }
0xa: {  	[smem:$0x3FAB] =	sst s2  }
0xb: {  	[smem:$0x3FAC] =	sst s3  }
0xc: {  	[smem:$0x3FAD] =	sst s4  }
0xd: {  	[smem:$0x3FAE] =	sst s5  }
0xe: {  	[smem:$0x3FAF] =	sst s6  }
0xf: {  	[smem:$0x3FB0] =	sst s7  }
0x10: {  	[smem:$0x3FB1] =	sst s8  }
0x11: {  	[smem:$0x3FB2] =	sst s9;
	s0 =	simm.s32 @!p0 $0x0  }
0x12: {  	s1 =	sld [smem:$0x3F98];
	s0 =	simm.s32 @p0 $0x1  }
0x13: {  	[smem:$0x3FB3] =	sst s0;
	s0 =	simm.s32 @!p1 $0x0  }
0x14: {  	s2 =	sld [smem:$0x3F97];
	s0 =	simm.s32 @p1 $0x1  }
0x15: {  	[smem:$0x3FB4] =	sst s0;
	s0 =	simm.s32 @!p2 $0x0  }
0x16: {  	s3 =	sld [smem:$0x3FDB];
	s0 =	simm.s32 @p2 $0x1  }
0x17: {  	s4 =	simm.s32 $0x1BF5;
	[smem:$0x3FB6] =	sst s0  }
0x18: {  	s0 =	sld [smem:$0x3F99];
	_ =	swait.ge [sflag:s4], $0x0  }
0x19: {  	s7 =	sld [smem:$0x3F9A]  }
0x1a: {  	s8 =	sadd.s32 $0xFFFFE003, lr  }
0x1b: {  	s9 =	sadd.s32 $0xFFFFFEF7, lr;
	s5 =	simm.s32 $0xFFFFFFFF;
	p2 =	slt.u32 s8, $0xFFFFF086  }
0x1c: {  	p1 =	slt.u32 s9, $0xF7A;
	s5 =	simm.s32 @!p2 $0x0  }
0x1d: {  	s5 =	simm.s32 @p1 $0x1;
	p0 =	seq.s32 s7, s2  }
0x1e: {  	s7 =	smul.u32 @!p0 $0xF7A, s2;
	p2 =	seq.s32 @!p0 s5, $0x0  }
0x1f: {  	s9 =	smul.u32 $0xF7A, s1;
	s8 =	simm.s32 @!p0 $0x1BF5;
	p2 =	por !p2, p0  }
0x20: {  	[sflag:s8] =	ssyncset.s32 @!p0 $0xFFFFF086;
	s6 =	sadd.s32 @!p0 s3, s7;
	s7 =	simm.s32 @!p0 $0x108  }
0x21: {  	s3 =	sadd.s32 s3, s9;
	s6 =	sadd.s32 @!p0 $0x88, s6;
	s7 =	simm.s32 @p2 $0x1082  }
0x22: {  	[simem:s7], [sflag:s8] =	dma.local @!p0 [hbm:s6], $0xF7A  }
0x23: {  	s9 =	sor.u32 $0xD0000000, s2;
	s6 =	simm.s32 $0x108;
	_ =	swait.ge @!p0 [sflag:s8], $0x0  }
0x24: {  	s3 =	sadd.s32 $0x88, s3;
	s6 =	simm.s32 @!p1 $0x1082;
	[sflag:s4] =	ssyncset.s32 $0xFFFFF086  }
0x25: {  	[simem:s6], [sflag:s4] =	dma.local [hbm:s3], $0xF7A  }
0x26: {  	[smem:$0x3F9A] =	sst s1;
	(tag) =	ssettag s2;
	_ =	strace s9  }
0x27: {  	s1 =	sld [smem:$0x3FAA]  }
0x28: {  	s2 =	sld [smem:$0x3FAB]  }
0x29: {  	s4 =	sld [smem:$0x3FAD]  }
0x2a: {  	p0 =	seq.s32 s5, $0x0;
	s5 =	sld [smem:$0x3FAE]  }
0x2b: {  	s6 =	sld [smem:$0x3FAF]  }
0x2c: {  	s7 =	sld [smem:$0x3FB0]  }
0x2d: {  	s3 =	simm.s32 $0x108;
	s8 =	sld [smem:$0x3FB1]  }
0x2e: {  	s3 =	simm.s32 @!p0 $0x1082;
	s9 =	sld [smem:$0x3FB2]  }
0x2f: {  	lr =	sadd.s32 s0, s3;
	s0 =	sld [smem:$0x3FA9]  }
0x30: {  	s3 =	sld [smem:$0x3FAC]  }
0x31: {  	[smem:$0x3FB5] =	sst s10  }
0x32: {  	s10 =	sld [smem:$0x3FB3];
	_ =	sdelay $0x3  }
0x33: {  	p0 =	seq.s32 s10, $0x1;
	s10 =	sld [smem:$0x3FB5];
	_ =	sdelay $0x3  }
0x34: {  	[smem:$0x3FB5] =	sst s10  }
0x35: {  	s10 =	sld [smem:$0x3FB4];
	_ =	sdelay $0x3  }
0x36: {  	p1 =	seq.s32 s10, $0x1;
	s10 =	sld [smem:$0x3FB5];
	_ =	sdelay $0x3  }
0x37: {  	[smem:$0x3FB5] =	sst s10  }
0x38: {  	s10 =	sld [smem:$0x3FB6]  }
0x39: {  	_ = 	snop;
	(pc) =	sbr.ind lr, $3  }
0x3a: {  	_ = 	snop  }
0x3b: {  	_ = 	snop  }
0x3c: {  	p2 =	seq.s32 s10, $0x1;
	s10 =	sld [smem:$0x3FB5]  }
0x3d: {  	_ =	shalt  }
0x3e: {  	_ =	shalt  }
0x3f: {  	_ =	shalt  }
0x40: {  	_ =	shalt  }
0x41: {  	_ =	shalt  }
0x42: {  	_ =	shalt  }
0x43: {  	_ =	shalt  }
0x44: {  	_ =	shalt  }
0x45: {  	_ =	shalt  }
0x46: {  	_ =	shalt  }
0x47: {  	_ =	shalt  }
0x48: {  	_ =	shalt  }
0x49: {  	_ =	shalt  }
0x4a: {  	_ =	shalt  }
0x4b: {  	_ =	shalt  }
0x4c: {  	_ =	shalt  }
0x4d: {  	_ =	shalt  }
0x4e: {  	_ =	shalt  }
0x4f: {  	_ =	shalt  }
0x50: {  	_ =	shalt  }
0x51: {  	_ =	shalt  }
0x52: {  	_ =	shalt  }
0x53: {  	_ =	shalt  }
0x54: {  	_ =	shalt  }
0x55: {  	_ =	shalt  }
0x56: {  	_ =	shalt  }
0x57: {  	_ =	shalt  }
0x58: {  	_ =	shalt  }
0x59: {  	_ =	shalt  }
0x5a: {  	_ =	shalt  }
0x5b: {  	_ =	shalt  }
0x5c: {  	_ =	shalt  }
0x5d: {  	_ =	shalt  }
0x5e: {  	_ =	shalt  }
0x5f: {  	_ =	shalt  }
0x60: {  	_ =	shalt  }
0x61: {  	_ =	shalt  }
0x62: {  	_ =	shalt  }
0x63: {  	_ =	shalt  }
0x64: {  	_ =	shalt  }
0x65: {  	_ =	shalt  }
0x66: {  	_ =	shalt  }
0x67: {  	_ =	shalt  }
0x68: {  	_ =	shalt  }
0x69: {  	_ =	shalt  }
0x6a: {  	_ =	shalt  }
0x6b: {  	_ =	shalt  }
0x6c: {  	_ =	shalt  }
0x6d: {  	_ =	shalt  }
0x6e: {  	_ =	shalt  }
0x6f: {  	_ =	shalt  }
0x70: {  	_ =	shalt  }
0x71: {  	_ =	shalt  }
0x72: {  	_ =	shalt  }
0x73: {  	_ =	shalt  }
0x74: {  	_ =	shalt  }
0x75: {  	_ =	shalt  }
0x76: {  	_ =	shalt  }
0x77: {  	_ =	shalt  }
0x78: {  	_ =	shalt  }
0x79: {  	_ =	shalt  }
0x7a: {  	_ =	shalt  }
0x7b: {  	_ =	shalt  }
0x7c: {  	_ =	shalt  }
0x7d: {  	_ =	shalt  }
0x7e: {  	_ =	shalt  }
0x7f: {  	_ =	shalt  }
0x80: {  	_ =	shalt  }
0x81: {  	_ =	shalt  }
0x82: {  	_ =	shalt  }
0x83: {  	_ =	shalt  }
0x84: {  	_ =	shalt  }
0x85: {  	_ =	shalt  }
0x86: {  	_ =	shalt  }
0x87: {  	_ =	shalt  }
.Lfunc_end0:
.L_simem_size_0:
called_computation_lowered:
.L_overlay_start_0:
0x88: {  	s0 =	sld [smem:$0x3FD9]  }
0x89: {  	s1 =	sld [smem:$0x3FFE];
	_ =	sdelay $0x3  }
0x8a: {  	s0 =	sadd.s32 s1, s0  }
0x8b: {  	[smem:$0x3FC1] =	sst s0  }
0x8c: {  	_ = 	snop  }
0x8d: {  	s0 =	sld [smem:$0x3FC7]  }
0x8e: {  	s17 =	sld [smem:$0x3FC3]  }
0x8f: {  	s2 =	sld [smem:$0x3FD0];
	(tm) =	ssettm $0x1  }
0x90: {  	s3 =	sld [smem:$0x3FFB];
	_ =	sdelay $0x3  }
0x91: {  	_ =	strace s3  }
0x92: {  	s3 =	sld [smem:$0x3FFC];
	_ =	sdelay $0x3  }
0x93: {  	_ =	strace s3  }
0x94: {  	s3 =	sld [smem:$0x3FFD];
	_ =	sdelay $0x3  }
0x95: {  	_ =	strace s3  }
0x96: {  	_ =	strace $0x8FFFFFFF  }
0x97: {  	s18 =	sld [smem:$0x3FDB];
	_ =	sdelay $0x1  }
0x98: {  	s4 =	simm.s32 $_scs_section_size  }
0x99: {  	s5 =	simm.s32 $_size__tile_overlayer_lowered;
	s6 =	simm.s32 $_tile_overlayer_lowered  }
0x9a: {  	s21 =	simm.s32 $0x1BFF;
	s20 =	sshll.u32 s6, $0x1;
	s3 =	sadd.s32 s4, s18  }
0x9b: {  	s7 =	simm.s32 $0x0;
	s19 =	sshll.u32 s5, $0x1;
	s5 =	sadd.s32 s20, s3  }
0x9c: {  	[timem:s7], [sflag:s21] =	dma.local [hbm:s5], s19  }
0x9d: {  	_ =	swait.ge [sflag:s21], s19  }
0x9e: {  	s4 =	ssub.s32 $0x0, s19;
	[sflag:s21] =	ssyncset.done $0x0  }
0x9f: {  	[sflag:s21] =	ssyncadd.s32 s4;
	_ =	sdelay $0x1  }
0xa0: {  	s22 =	simm.s32 $0x1B8B  }
0xa1: {  	_ =	swait.ge [sflag:s22], $0x1  }
0xa2: {  	[sflag:s22] =	ssyncset.done $0x0  }
0xa3: {  	s23 =	simm.s32 $0x1B8E;
	[sflag:s22] =	ssyncadd.s32 $0xFFFFFFFF  }
0xa4: {  	s24 =	simm.s32 $execute0_lowered;
	[smem:$0x3FD2] =	sst s23  }
0xa5: {  	s4 =	sshll.u32 s24, $0x1;
	_ =	strace $0x80000046;
	[dreg:$0x1] =	wrdreg $0xFFFFFFFF  }
0xa6: {  	s25 =	simm.s32 $_size_execute0_lowered;
	s3 =	sadd.s32 s3, s4;
	[dreg:$0x0] =	wrdreg $0x0  }
0xa7: {  	s4 =	sshll.u32 s25, $0x1;
	[dreg:$0x2] =	wrdreg s3  }
0xa8: {  	[dreg:$0x3] =	wrdreg s4  }
0xa9: {  	[dreg:$0x4] =	wrdreg $0xC0  }
0xaa: {  	_ =	task [dreg:s7], $0x5FFFF  }
0xab: {  	[dreg:$0x1] =	wrdreg $0xFFFFFFFF  }
0xac: {  	[dreg:$0x0] =	wrdreg $0x60  }
0xad: {  	[dreg:$0x2] =	wrdreg s0  }
0xae: {  	[dreg:$0x3] =	wrdreg s17  }
0xaf: {  	[dreg:$0x4] =	wrdreg s2  }
0xb0: {  	[dreg:$0x5] =	wrdreg $0x9  }
0xb1: {  	_ =	task.clear_ibuf [dreg:s7], $0x6FFFF;
	_ =	strace $0x90000046  }
0xb2: {  	s26 =	simm.s32 $0x9;
	_ =	strace $0x80000048  }
0xb3: {  	_ =	swait.ge [sflag:s26], $0x1  }
0xb4: {  	[sflag:s26] =	ssyncadd.s32 $0xFFFFFFFF  }
0xb5: {  	_ =	strace $0x90000048  }
0xb6: {  	_ =	sfence  }
0xb7: {  	s28 =	sld [smem:$0x0];
	_ =	sdelay $0x1  }
0xb8: {  	s29 =	srdreg.scid  }
0xb9: {  	s30 =	sshll.u32 s29, $0xD;
	s31 =	sshrl.u32 s29, $0x2  }
0xba: {  	s1 =	sand.u32 $0x1, s29;
	s2 =	sand.u32 $0x4000, s30;
	s0 =	sadd.s32 s31, s28  }
0xbb: {  	s1 =	sor.u32 s2, s1;
	s0 =	sshll.u32 s0, $0x11  }
0xbc: {  	s0 =	sor.u32 s0, s1  }
0xbd: {  	s0 =	sadd.s32 $0x8F2B, s0  }
0xbe: {  	[sflag:s0] =	ssyncadd.remote.s32 $0x1  }
0xbf: {  	_ =	sfence.sel $0xFFFF  }
0xc0: {  	[dreg:$0x0] =	wrdreg $0xFFFFFFFF;
	(pc) =	sbr.abs _section_cstart, $3  }
0xc1: {  	[dreg:$0x1] =	wrdreg $0xFFFFFFFF  }
0xc2: {  	_ =	task.clear_ibuf [dreg:s7], $0x2FFFF;
	_ =	strace $0x9FFFFFFF  }
0xc3: {  	(tm) =	ssettm $0x7FFFFFFF  }
tec
execute0_lowered:
.L_overlay_start_1:
0x0: {  	(tag) =	ssettag $0x1  }
0x1: {  	s3 =	rddreg [dreg:$0x0]  }
0x2: {  	s4 =	rddreg [dreg:$0x1]  }
0x3: {  	s5 =	rddreg [dreg:$0x2]  }
0x4: {  	s0 =	rddreg [dreg:$0x3];
	s2 =	simm.s32 $0x0;
	s1 =	stileid.u32  }
0x5: {  	[smem:$0x7FF] =	sst s2;
	s6 =	sshll.u32 s1, $0x7  }
0x6: {  	s16 =	simm.s32 $0x3;
	_ =	strace $0x80000047;
	s3 =	sadd.s32 s3, s6  }
0x7: {  	[tilespmem:s2], [sflag:$0x3] =	stream.linear.gather [hbm4b:s3+s2], $0x400, $0x38;
	[tilespmem:$0x800] =	vst v63  }
0x8: {  	_ =	swait.ge [sflag:s16], $0x400  }
0x9: {  	[sflag:s16] =	ssyncset.done $0x0  }
0xa: {  	s17 =	simm.s32 $0x80;
	s7 =	simm.s32 $0x400;
	[sflag:s16] =	ssyncadd.s32 $0xFFFFFC00  }
0xb: {  	[tilespmem:s7], [sflag:$0x1] =	stream.indirect.gather [hbm4b:s4+s17], $0x1, s2, s17, $0xb8;
	[tilespmem:$0x800] =	vst v63  }
0xc: {  	s8 =	simm.s32 $0x480  }
0xd: {  	[tilespmem:s8], [sflag:$0x1] =	stream.indirect.gather [hbm4b:s4+s17], $0x1, s17, s17, $0xb8;
	[tilespmem:$0x800] =	vst v63  }
0xe: {  	s9 =	simm.s32 $0x100;
	s10 =	simm.s32 $0x500  }
0xf: {  	[tilespmem:s10], [sflag:$0x1] =	stream.indirect.gather [hbm4b:s4+s17], $0x1, s9, s17, $0xb8;
	[tilespmem:$0x800] =	vst v63  }
0x10: {  	s18 =	simm.s32 $0x180;
	s11 =	simm.s32 $0x580  }
0x11: {  	[tilespmem:s11], [sflag:$0x1] =	stream.indirect.gather [hbm4b:s4+s17], $0x1, s18, s17, $0xb8;
	[tilespmem:$0x800] =	vst v63  }
0x12: {  	s19 =	simm.s32 $0x200;
	s12 =	simm.s32 $0x600  }
0x13: {  	[tilespmem:s12], [sflag:$0x1] =	stream.indirect.gather [hbm4b:s4+s17], $0x1, s19, s17, $0xb8;
	[tilespmem:$0x800] =	vst v63  }
0x14: {  	s20 =	simm.s32 $0x280;
	s13 =	simm.s32 $0x680  }
0x15: {  	[tilespmem:s13], [sflag:$0x1] =	stream.indirect.gather [hbm4b:s4+s17], $0x1, s20, s17, $0xb8;
	[tilespmem:$0x800] =	vst v63  }
0x16: {  	s21 =	simm.s32 $0x300;
	s14 =	simm.s32 $0x700  }
0x17: {  	[tilespmem:s14], [sflag:$0x1] =	stream.indirect.gather [hbm4b:s4+s17], $0x1, s21, s17, $0xb8;
	[tilespmem:$0x800] =	vst v63  }
0x18: {  	s22 =	simm.s32 $0x380;
	s15 =	simm.s32 $0x780;
	s23 =	simm.s32 $0x1  }
0x19: {  	[tilespmem:s15], [sflag:$0x1] =	stream.indirect.gather [hbm4b:s4+s17], $0x1, s22, s17, $0xb8;
	[tilespmem:$0x800] =	vst v63  }
0x1a: {  	_ =	swait.ge [sflag:s23], $0x80  }
0x1b: {  	[sflag:s23] =	ssyncset.done $0x0  }
0x1c: {  	s24 =	sadd.s32 s5, s6;
	[sflag:s23] =	ssyncadd.s32 $0xFFFFFF80  }
0x1d: {  	[hbm4b:s24+s2] =	stream.linear.scatter [tilespmem:s7], [sflag:$0x2], $0x80, $0x38;
	[tilespmem:$0x800] =	vst v63  }
0x1e: {  	_ =	swait.ge [sflag:s23], $0x80  }
0x1f: {  	[sflag:s23] =	ssyncset.done $0x0  }
0x20: {  	s5 =	sadd.s32 $0x10, s24;
	[sflag:s23] =	ssyncadd.s32 $0xFFFFFF80  }
0x21: {  	[hbm4b:s5+s2] =	stream.linear.scatter [tilespmem:s8], [sflag:$0x2], $0x80, $0x38;
	[tilespmem:$0x800] =	vst v63  }
0x22: {  	_ =	swait.ge [sflag:s23], $0x80  }
0x23: {  	[sflag:s23] =	ssyncset.done $0x0  }
0x24: {  	s25 =	sadd.s32 $0x20, s24;
	[sflag:s23] =	ssyncadd.s32 $0xFFFFFF80  }
0x25: {  	[hbm4b:s25+s2] =	stream.linear.scatter [tilespmem:s10], [sflag:$0x2], $0x80, $0x38;
	[tilespmem:$0x800] =	vst v63  }
0x26: {  	_ =	swait.ge [sflag:s23], $0x80  }
0x27: {  	[sflag:s23] =	ssyncset.done $0x0  }
0x28: {  	s26 =	sadd.s32 $0x30, s24;
	[sflag:s23] =	ssyncadd.s32 $0xFFFFFF80  }
0x29: {  	[hbm4b:s26+s2] =	stream.linear.scatter [tilespmem:s11], [sflag:$0x2], $0x80, $0x38;
	[tilespmem:$0x800] =	vst v63  }
0x2a: {  	_ =	swait.ge [sflag:s23], $0x80  }
0x2b: {  	[sflag:s23] =	ssyncset.done $0x0  }
0x2c: {  	s28 =	sadd.s32 $0x40, s24;
	[sflag:s23] =	ssyncadd.s32 $0xFFFFFF80  }
0x2d: {  	[hbm4b:s28+s2] =	stream.linear.scatter [tilespmem:s12], [sflag:$0x2], $0x80, $0x38;
	[tilespmem:$0x800] =	vst v63  }
0x2e: {  	_ =	swait.ge [sflag:s23], $0x80  }
0x2f: {  	[sflag:s23] =	ssyncset.done $0x0  }
0x30: {  	s29 =	sadd.s32 $0x50, s24;
	[sflag:s23] =	ssyncadd.s32 $0xFFFFFF80  }
0x31: {  	[hbm4b:s29+s2] =	stream.linear.scatter [tilespmem:s13], [sflag:$0x2], $0x80, $0x38;
	[tilespmem:$0x800] =	vst v63  }
0x32: {  	_ =	swait.ge [sflag:s23], $0x80  }
0x33: {  	[sflag:s23] =	ssyncset.done $0x0  }
0x34: {  	s30 =	sadd.s32 $0x60, s24;
	[sflag:s23] =	ssyncadd.s32 $0xFFFFFF80  }
0x35: {  	[hbm4b:s30+s2] =	stream.linear.scatter [tilespmem:s14], [sflag:$0x2], $0x80, $0x38;
	[tilespmem:$0x800] =	vst v63  }
0x36: {  	_ =	swait.ge [sflag:s23], $0x80  }
0x37: {  	[sflag:s23] =	ssyncset.done $0x0  }
0x38: {  	s31 =	simm.s32 $0x2;
	s4 =	sadd.s32 $0x70, s24;
	[sflag:s23] =	ssyncadd.s32 $0xFFFFFF80  }
0x39: {  	[hbm4b:s4+s2] =	stream.linear.scatter [tilespmem:s15], [sflag:$0x2], $0x80, $0x38;
	[tilespmem:$0x800] =	vst v63  }
0x3a: {  	_ =	swait.ge [sflag:s31], $0x80  }
0x3b: {  	[sflag:s31] =	ssyncset.done $0x0  }
0x3c: {  	[sflag:s31] =	ssyncadd.s32 $0xFFFFFF80  }
0x3d: {  	_ =	swait.ge [sflag:s31], $0x80  }
0x3e: {  	[sflag:s31] =	ssyncset.done $0x0  }
0x3f: {  	[sflag:s31] =	ssyncadd.s32 $0xFFFFFF80  }
0x40: {  	_ =	swait.ge [sflag:s31], $0x80  }
0x41: {  	[sflag:s31] =	ssyncset.done $0x0  }
0x42: {  	[sflag:s31] =	ssyncadd.s32 $0xFFFFFF80  }
0x43: {  	_ =	swait.ge [sflag:s31], $0x80  }
0x44: {  	[sflag:s31] =	ssyncset.done $0x0  }
0x45: {  	[sflag:s31] =	ssyncadd.s32 $0xFFFFFF80  }
0x46: {  	_ =	swait.ge [sflag:s31], $0x80  }
0x47: {  	[sflag:s31] =	ssyncset.done $0x0  }
0x48: {  	[sflag:s31] =	ssyncadd.s32 $0xFFFFFF80  }
0x49: {  	_ =	swait.ge [sflag:s31], $0x80  }
0x4a: {  	[sflag:s31] =	ssyncset.done $0x0  }
0x4b: {  	[sflag:s31] =	ssyncadd.s32 $0xFFFFFF80  }
0x4c: {  	_ =	swait.ge [sflag:s31], $0x80  }
0x4d: {  	[sflag:s31] =	ssyncset.done $0x0  }
0x4e: {  	[sflag:s31] =	ssyncadd.s32 $0xFFFFFF80  }
0x4f: {  	_ =	swait.ge [sflag:s31], $0x80  }
0x50: {  	[sflag:s31] =	ssyncset.done $0x0  }
0x51: {  	[sflag:s31] =	ssyncadd.s32 $0xFFFFFF80  }
0x52: {  	_ =	sfence.sel $0x180000  }
0x53: {  	[bflag:$0x0] =	sbarrier.arrive $0xFFFF  }
0x54: {  	p0 =	sne.s32 s1, $0x0;
	_ =	strace $0x90000047  }
0x55: {  	s0 =	sadd.s32 @!p0 $0x100000, s0;
	[bflag:$0x2] =	sbarrier.arrive $0xFFFF  }
0x56: {  	[sflag:s0] =	ssyncadd.tile.s32 @!p0 $0x1;
	_ =	shalt  }
.Lfunc_end2:
_tile_overlayer_lowered:
.L_overlay_start_2:
0x57: {  	(tag) =	ssettag $0x2  }
0x58: {  	s0 =	rddreg [dreg:$0x0];
	s2 =	stileid.u32  }
0x59: {  	s1 =	rddreg [dreg:$0x1];
	p0 =	sne.s32 s2, $0x0  }
0x5a: {  	s3 =	rddreg [dreg:$0x2];
	[bflag:$0x3] =	sbarrier.arrive $0xFFFF;
	s2 =	simm.s32 @!p0 $0x1C03  }
0x5b: {  	[timem:s3], [sflag:s2] =	dma.local @!p0 [hbm:s0], s1  }
0x5c: {  	s0 =	simm.s32 @!p0 $0x3  }
0x5d: {  	_ =	swait.ge @!p0 [sflag:s0], s1  }
0x5e: {  	s1 =	ssub.s32 @!p0 $0x0, s1;
	[sflag:s0] =	ssyncset.done @!p0 $0x0  }
0x5f: {  	[sflag:s0] =	ssyncadd.s32 @!p0 s1  }
0x60: {  	[bflag:$0x3] =	sbarrier.arrive $0xFFFF  }
0x61: {  	_ =	shalt  }

</sc_bundles>
